<compile_context>
chip_gen: v7x
topology: tpu7x:2x2x1
jax: 0.10.2.dev20260603
libtpu: 0.0.44.dev20260713+nightly
codegen_flags: <defaults>
</compile_context>

<pallas_src>
import functools

import jax
import jax.numpy as jnp
from jax import lax
from jax.experimental import pallas as pl
from jax.experimental.pallas import tpu as pltpu
from jax.experimental.pallas import tpu_sc as plsc

SEQ_LEN = 2048
BATCH = 16
HIDDEN = 1024
HALF = HIDDEN // 2


def _body(table_hbm, lengths_hbm, out_hbm, len_s, sem):
    pltpu.sync_copy(lengths_hbm, len_s)
    cid = lax.axis_index("c")

    @pl.when(cid == 0)
    def _fw():
        def issue(b, carry):
            ln = len_s[b]
            pltpu.async_copy(
                table_hbm.at[(ln - 1) * BATCH + b, pl.ds(0, HALF)],
                out_hbm.at[b, pl.ds(0, HALF)], sem)
            return carry

        lax.fori_loop(0, BATCH, issue, 0)

    @pl.when(cid == 1)
    def _bw():
        def issue(b, carry):
            ln = len_s[b]
            pltpu.async_copy(
                table_hbm.at[(SEQ_LEN - ln) * BATCH + b, pl.ds(HALF, HALF)],
                out_hbm.at[b, pl.ds(HALF, HALF)], sem)
            return carry

        lax.fori_loop(0, BATCH, issue, 0)

    pltpu.make_async_copy(
        table_hbm.at[pl.ds(0, BATCH), pl.ds(0, HALF)],
        out_hbm.at[:, pl.ds(0, HALF)], sem).wait()


_gather = functools.partial(
    pl.kernel,
    out_type=jax.ShapeDtypeStruct((BATCH, HIDDEN), jnp.float32),
    mesh=plsc.ScalarSubcoreMesh(axis_name="c", num_cores=2),
    scratch_types=[
        pltpu.SMEM((BATCH,), jnp.int32),
        pltpu.SemaphoreType.DMA,
    ],
    compiler_params=pltpu.CompilerParams(needs_layout_passes=False),
)(_body)


@jax.jit
def kernel(lstm_out, lengths):
    table = lstm_out.reshape(SEQ_LEN * BATCH, HIDDEN)
    return _gather(table, lengths.astype(jnp.int32))

# --- scband reference (transcript-rebuilt; emitter-appended) ---
"""Pipeline reference for scband-gather-last-layer-41901700940441 (READ-ONLY COPY).

The authoritative reference and input builder live on the scoring server;
editing this copy changes nothing except your own understanding.
"""

import jax, jax.numpy as jnp
import numpy as np

SEQ_LEN = 2048
BATCH = 16
HIDDEN_X_DIRS = 1024


def setup_inputs(seed: int = 0) -> dict:
    key = jax.random.key(seed)
    k1, k2 = jax.random.split(key)
    lstm_out = jax.random.normal(k1, (SEQ_LEN, BATCH, HIDDEN_X_DIRS), dtype=jnp.float32)
    # lengths must be in [1, seq_len] so that (lengths - 1) and (seq_len - lengths)
    # are both valid time indices for torch.gather semantics.
    lengths = jax.random.randint(k2, (BATCH,), 1, SEQ_LEN + 1, dtype=jnp.int64) if jax.config.jax_enable_x64 else jax.random.randint(k2, (BATCH,), 1, SEQ_LEN + 1, dtype=jnp.int32)
    return {"lstm_out": lstm_out, "lengths": lengths}


def reference(lstm_out, lengths):
    seq_len = lstm_out.shape[0]
    batch_size = lstm_out.shape[1]
    hidden_x_dirs = lstm_out.shape[2]
    single_dir_hidden = hidden_x_dirs // 2

    lengths_fw = lengths
    lengths_bw = seq_len - lengths_fw

    rep_lengths_fw = jnp.broadcast_to(lengths_fw.reshape(1, batch_size, 1), (1, batch_size, single_dir_hidden))
    rep_lengths_bw = jnp.broadcast_to(lengths_bw.reshape(1, batch_size, 1), (1, batch_size, single_dir_hidden))

    out_fw = lstm_out[:, :, :single_dir_hidden]
    out_bw = lstm_out[:, :, single_dir_hidden:]

    # torch.gather(out, 0, idx) along time axis
    h_t_fw = jnp.take_along_axis(out_fw, rep_lengths_fw - 1, axis=0)
    h_t_bw = jnp.take_along_axis(out_bw, rep_lengths_bw, axis=0)

    last_hidden_out = jnp.concatenate([h_t_fw, h_t_bw], axis=2).squeeze()
    return last_hidden_out

if __name__ == "__main__":
    import jax
    _d = setup_inputs()
    print(jax.jit(kernel)(*tuple(_d.values())))

</pallas_src>

<mosaic_0001>
#map = affine_map<(d0) -> (0, 0)>
#map1 = affine_map<(d0) -> (0)>
module attributes {stable_mosaic.version = 14 : i64} {
  func.func @_body(%arg0: i32, %arg1: memref<32768x1024xf32, #tpu.memory_space<hbm>>, %arg2: memref<16xi32, #tpu.memory_space<hbm>>, %arg3: memref<16x1024xf32, #tpu.memory_space<hbm>>, %arg4: memref<16xi32, #tpu.memory_space<smem>>, %arg5: memref<!tpu.dma_semaphore, #tpu.memory_space<semaphore_mem>>) attributes {dimension_semantics = [#tpu.dimension_semantics<core_parallel>], iteration_bounds = array<i64: 2>, scalar_prefetch = 0 : i64, scratch_operands = 2 : i64, tpu.core_type = #tpu.core_type<sc_scalar_subcore>, window_params = [{transform_indices = #map}, {transform_indices = #map1}, {transform_indices = #map}]} {
    "tpu.region"() ({
      %run_scoped3A = tpu.sem_alloc : memref<!tpu.dma_semaphore, #tpu.memory_space<semaphore_mem>>
      tpu.enqueue_dma source(%arg2 : memref<16xi32, #tpu.memory_space<hbm>>) target(%arg4 : memref<16xi32, #tpu.memory_space<smem>>) target_semaphore(%run_scoped3A : memref<!tpu.dma_semaphore, #tpu.memory_space<semaphore_mem>>)
      tpu.wait_dma2 semaphore(%run_scoped3A : memref<!tpu.dma_semaphore, #tpu.memory_space<semaphore_mem>>) src(%arg2 : memref<16xi32, #tpu.memory_space<hbm>>) dst(%arg4 : memref<16xi32, #tpu.memory_space<smem>>)
      tpu.yield
    }) : () -> ()
    %eq3A = arith.constant 0 : i32
    %eq3A_0 = arith.cmpi eq, %arg0, %eq3A : i32
    %convert_element_type3A = arith.extui %eq3A_0 : i1 to i32
    %cond3A = arith.constant 0 : i32
    %cond3A_1 = arith.cmpi ne, %convert_element_type3A, %cond3A : i32
    scf.if %cond3A_1 {
      %scan3A = arith.constant 0 : i32
      %scan3A_12 = arith.constant 0 : i32
      %scan3A_13 = arith.constant 16 : i32
      %scan3A_14 = arith.addi %scan3A_12, %scan3A_13 : i32
      %scan3A_15 = arith.constant 1 : i32
      scf.for %scan3A_17 = %scan3A_12 to %scan3A_14 step %scan3A_15  : i32 {
        %get3A = arith.index_cast %scan3A_17 : i32 to index
        %get3A_18 = memref.load %arg4[%get3A] : memref<16xi32, #tpu.memory_space<smem>>
        %sub3A = arith.constant 1 : i32
        %sub3A_19 = arith.subi %get3A_18, %sub3A : i32
        %mul3A = arith.constant 16 : i32
        %mul3A_20 = arith.muli %sub3A_19, %mul3A : i32
        %add3A = arith.addi %mul3A_20, %scan3A_17 : i32
        %dma_start3A = arith.constant 0 : i32
        %dma_start3A_21 = tpu.memref_slice %arg3[%scan3A_17, %dma_start3A] : memref<16x1024xf32, #tpu.memory_space<hbm>> -> memref<1x512xf32, #tpu.memory_space<hbm>>
        %dma_start3A_22 = tpu.memref_squeeze %dma_start3A_21 : memref<1x512xf32, #tpu.memory_space<hbm>> -> memref<512xf32, #tpu.memory_space<hbm>>
        %dma_start3A_23 = arith.constant 0 : i32
        %dma_start3A_24 = tpu.memref_slice %arg1[%add3A, %dma_start3A_23] : memref<32768x1024xf32, #tpu.memory_space<hbm>> -> memref<1x512xf32, #tpu.memory_space<hbm>>
        %dma_start3A_25 = tpu.memref_squeeze %dma_start3A_24 : memref<1x512xf32, #tpu.memory_space<hbm>> -> memref<512xf32, #tpu.memory_space<hbm>>
        tpu.enqueue_dma source(%dma_start3A_25 : memref<512xf32, #tpu.memory_space<hbm>>) target(%dma_start3A_22 : memref<512xf32, #tpu.memory_space<hbm>>) target_semaphore(%arg5 : memref<!tpu.dma_semaphore, #tpu.memory_space<semaphore_mem>>)
      }
      %scan3A_16 = arith.constant 16 : i32
    } else {
    }
    %eq3A_2 = arith.constant 1 : i32
    %eq3A_3 = arith.cmpi eq, %arg0, %eq3A_2 : i32
    %convert_element_type3A_4 = arith.extui %eq3A_3 : i1 to i32
    %cond3A_5 = arith.constant 0 : i32
    %cond3A_6 = arith.cmpi ne, %convert_element_type3A_4, %cond3A_5 : i32
    scf.if %cond3A_6 {
      %scan3A = arith.constant 0 : i32
      %scan3A_12 = arith.constant 0 : i32
      %scan3A_13 = arith.constant 16 : i32
      %scan3A_14 = arith.addi %scan3A_12, %scan3A_13 : i32
      %scan3A_15 = arith.constant 1 : i32
      scf.for %scan3A_17 = %scan3A_12 to %scan3A_14 step %scan3A_15  : i32 {
        %get3A = arith.index_cast %scan3A_17 : i32 to index
        %get3A_18 = memref.load %arg4[%get3A] : memref<16xi32, #tpu.memory_space<smem>>
        %sub3A = arith.constant 2048 : i32
        %sub3A_19 = arith.subi %sub3A, %get3A_18 : i32
        %mul3A = arith.constant 16 : i32
        %mul3A_20 = arith.muli %sub3A_19, %mul3A : i32
        %add3A = arith.addi %mul3A_20, %scan3A_17 : i32
        %dma_start3A = arith.constant 512 : i32
        %dma_start3A_21 = tpu.memref_slice %arg3[%scan3A_17, %dma_start3A] : memref<16x1024xf32, #tpu.memory_space<hbm>> -> memref<1x512xf32, #tpu.memory_space<hbm>>
        %dma_start3A_22 = tpu.memref_squeeze %dma_start3A_21 : memref<1x512xf32, #tpu.memory_space<hbm>> -> memref<512xf32, #tpu.memory_space<hbm>>
        %dma_start3A_23 = arith.constant 512 : i32
        %dma_start3A_24 = tpu.memref_slice %arg1[%add3A, %dma_start3A_23] : memref<32768x1024xf32, #tpu.memory_space<hbm>> -> memref<1x512xf32, #tpu.memory_space<hbm>>
        %dma_start3A_25 = tpu.memref_squeeze %dma_start3A_24 : memref<1x512xf32, #tpu.memory_space<hbm>> -> memref<512xf32, #tpu.memory_space<hbm>>
        tpu.enqueue_dma source(%dma_start3A_25 : memref<512xf32, #tpu.memory_space<hbm>>) target(%dma_start3A_22 : memref<512xf32, #tpu.memory_space<hbm>>) target_semaphore(%arg5 : memref<!tpu.dma_semaphore, #tpu.memory_space<semaphore_mem>>)
      }
      %scan3A_16 = arith.constant 16 : i32
    } else {
    }
    %dma_wait3A = arith.constant 0 : i32
    %dma_wait3A_7 = arith.constant 0 : i32
    %dma_wait3A_8 = tpu.memref_slice %arg3[%dma_wait3A, %dma_wait3A_7] : memref<16x1024xf32, #tpu.memory_space<hbm>> -> memref<16x512xf32, #tpu.memory_space<hbm>>
    %dma_wait3A_9 = arith.constant 0 : i32
    %dma_wait3A_10 = arith.constant 0 : i32
    %dma_wait3A_11 = tpu.memref_slice %arg1[%dma_wait3A_9, %dma_wait3A_10] : memref<32768x1024xf32, #tpu.memory_space<hbm>> -> memref<16x512xf32, #tpu.memory_space<hbm>>
    tpu.wait_dma2 semaphore(%arg5 : memref<!tpu.dma_semaphore, #tpu.memory_space<semaphore_mem>>) src(%dma_wait3A_11 : memref<16x512xf32, #tpu.memory_space<hbm>>) dst(%dma_wait3A_8 : memref<16x512xf32, #tpu.memory_space<hbm>>)
    return
  }
}

</mosaic_0001>

<sc_bundles>
// kernel: kernel.3.cloned.1.call-start
scs
__scs_entry_jumppad:
0x0: {  	(pc) =	sbr.rel $0x88, $3  }
0x1: {  	(tag) =	ssettag $0x0;
	lr =	simm.s32 $0x1  }
0x2: {  	[smem:$0x3F9F] =	sst lr;
	_ =	strace $0xD0000000  }
0x3: {  	_ = 	snop  }
0x4: {  	_ = 	snop  }
0x5: {  	_ = 	snop  }
0x6: {  	_ = 	snop  }
0x7: {  	_ = 	snop  }
__scs_overlays_trampoline_lowered:
0x8: {  	[smem:$0x3FAE] =	sst s0  }
0x9: {  	[smem:$0x3FAF] =	sst s1  }
0xa: {  	[smem:$0x3FB0] =	sst s2  }
0xb: {  	[smem:$0x3FB1] =	sst s3  }
0xc: {  	[smem:$0x3FB2] =	sst s4  }
0xd: {  	[smem:$0x3FB3] =	sst s5  }
0xe: {  	[smem:$0x3FB4] =	sst s6  }
0xf: {  	[smem:$0x3FB5] =	sst s7  }
0x10: {  	[smem:$0x3FB6] =	sst s8  }
0x11: {  	[smem:$0x3FB7] =	sst s9;
	s0 =	simm.s32 @!p0 $0x0  }
0x12: {  	s1 =	sld [smem:$0x3F9D];
	s0 =	simm.s32 @p0 $0x1  }
0x13: {  	[smem:$0x3FB8] =	sst s0;
	s0 =	simm.s32 @!p1 $0x0  }
0x14: {  	s2 =	sld [smem:$0x3F9C];
	s0 =	simm.s32 @p1 $0x1  }
0x15: {  	[smem:$0x3FB9] =	sst s0;
	s0 =	simm.s32 @!p2 $0x0  }
0x16: {  	s3 =	sld [smem:$0x3FDB];
	s0 =	simm.s32 @p2 $0x1  }
0x17: {  	s4 =	simm.s32 $0x1BF5;
	[smem:$0x3FBB] =	sst s0  }
0x18: {  	s0 =	sld [smem:$0x3F9E];
	_ =	swait.ge [sflag:s4], $0x0  }
0x19: {  	s7 =	sld [smem:$0x3F9F]  }
0x1a: {  	s8 =	sadd.s32 $0xFFFFE003, lr  }
0x1b: {  	s9 =	sadd.s32 $0xFFFFFEF7, lr;
	s5 =	simm.s32 $0xFFFFFFFF;
	p2 =	slt.u32 s8, $0xFFFFF086  }
0x1c: {  	p1 =	slt.u32 s9, $0xF7A;
	s5 =	simm.s32 @!p2 $0x0  }
0x1d: {  	s5 =	simm.s32 @p1 $0x1;
	p0 =	seq.s32 s7, s2  }
0x1e: {  	s7 =	smul.u32 @!p0 $0xF7A, s2;
	p2 =	seq.s32 @!p0 s5, $0x0  }
0x1f: {  	s9 =	smul.u32 $0xF7A, s1;
	s8 =	simm.s32 @!p0 $0x1BF5;
	p2 =	por !p2, p0  }
0x20: {  	[sflag:s8] =	ssyncset.s32 @!p0 $0xFFFFF086;
	s6 =	sadd.s32 @!p0 s3, s7;
	s7 =	simm.s32 @!p0 $0x108  }
0x21: {  	s3 =	sadd.s32 s3, s9;
	s6 =	sadd.s32 @!p0 $0x88, s6;
	s7 =	simm.s32 @p2 $0x1082  }
0x22: {  	[simem:s7], [sflag:s8] =	dma.local @!p0 [hbm:s6], $0xF7A  }
0x23: {  	s9 =	sor.u32 $0xD0000000, s2;
	s6 =	simm.s32 $0x108;
	_ =	swait.ge @!p0 [sflag:s8], $0x0  }
0x24: {  	s3 =	sadd.s32 $0x88, s3;
	s6 =	simm.s32 @!p1 $0x1082;
	[sflag:s4] =	ssyncset.s32 $0xFFFFF086  }
0x25: {  	[simem:s6], [sflag:s4] =	dma.local [hbm:s3], $0xF7A  }
0x26: {  	[smem:$0x3F9F] =	sst s1;
	(tag) =	ssettag s2;
	_ =	strace s9  }
0x27: {  	s1 =	sld [smem:$0x3FAF]  }
0x28: {  	s2 =	sld [smem:$0x3FB0]  }
0x29: {  	s4 =	sld [smem:$0x3FB2]  }
0x2a: {  	p0 =	seq.s32 s5, $0x0;
	s5 =	sld [smem:$0x3FB3]  }
0x2b: {  	s6 =	sld [smem:$0x3FB4]  }
0x2c: {  	s7 =	sld [smem:$0x3FB5]  }
0x2d: {  	s3 =	simm.s32 $0x108;
	s8 =	sld [smem:$0x3FB6]  }
0x2e: {  	s3 =	simm.s32 @!p0 $0x1082;
	s9 =	sld [smem:$0x3FB7]  }
0x2f: {  	lr =	sadd.s32 s0, s3;
	s0 =	sld [smem:$0x3FAE]  }
0x30: {  	s3 =	sld [smem:$0x3FB1]  }
0x31: {  	[smem:$0x3FBA] =	sst s10  }
0x32: {  	s10 =	sld [smem:$0x3FB8];
	_ =	sdelay $0x3  }
0x33: {  	p0 =	seq.s32 s10, $0x1;
	s10 =	sld [smem:$0x3FBA];
	_ =	sdelay $0x3  }
0x34: {  	[smem:$0x3FBA] =	sst s10  }
0x35: {  	s10 =	sld [smem:$0x3FB9];
	_ =	sdelay $0x3  }
0x36: {  	p1 =	seq.s32 s10, $0x1;
	s10 =	sld [smem:$0x3FBA];
	_ =	sdelay $0x3  }
0x37: {  	[smem:$0x3FBA] =	sst s10  }
0x38: {  	s10 =	sld [smem:$0x3FBB]  }
0x39: {  	_ = 	snop;
	(pc) =	sbr.ind lr, $3  }
0x3a: {  	_ = 	snop  }
0x3b: {  	_ = 	snop  }
0x3c: {  	p2 =	seq.s32 s10, $0x1;
	s10 =	sld [smem:$0x3FBA]  }
0x3d: {  	_ =	shalt  }
0x3e: {  	_ =	shalt  }
0x3f: {  	_ =	shalt  }
0x40: {  	_ =	shalt  }
0x41: {  	_ =	shalt  }
0x42: {  	_ =	shalt  }
0x43: {  	_ =	shalt  }
0x44: {  	_ =	shalt  }
0x45: {  	_ =	shalt  }
0x46: {  	_ =	shalt  }
0x47: {  	_ =	shalt  }
0x48: {  	_ =	shalt  }
0x49: {  	_ =	shalt  }
0x4a: {  	_ =	shalt  }
0x4b: {  	_ =	shalt  }
0x4c: {  	_ =	shalt  }
0x4d: {  	_ =	shalt  }
0x4e: {  	_ =	shalt  }
0x4f: {  	_ =	shalt  }
0x50: {  	_ =	shalt  }
0x51: {  	_ =	shalt  }
0x52: {  	_ =	shalt  }
0x53: {  	_ =	shalt  }
0x54: {  	_ =	shalt  }
0x55: {  	_ =	shalt  }
0x56: {  	_ =	shalt  }
0x57: {  	_ =	shalt  }
0x58: {  	_ =	shalt  }
0x59: {  	_ =	shalt  }
0x5a: {  	_ =	shalt  }
0x5b: {  	_ =	shalt  }
0x5c: {  	_ =	shalt  }
0x5d: {  	_ =	shalt  }
0x5e: {  	_ =	shalt  }
0x5f: {  	_ =	shalt  }
0x60: {  	_ =	shalt  }
0x61: {  	_ =	shalt  }
0x62: {  	_ =	shalt  }
0x63: {  	_ =	shalt  }
0x64: {  	_ =	shalt  }
0x65: {  	_ =	shalt  }
0x66: {  	_ =	shalt  }
0x67: {  	_ =	shalt  }
0x68: {  	_ =	shalt  }
0x69: {  	_ =	shalt  }
0x6a: {  	_ =	shalt  }
0x6b: {  	_ =	shalt  }
0x6c: {  	_ =	shalt  }
0x6d: {  	_ =	shalt  }
0x6e: {  	_ =	shalt  }
0x6f: {  	_ =	shalt  }
0x70: {  	_ =	shalt  }
0x71: {  	_ =	shalt  }
0x72: {  	_ =	shalt  }
0x73: {  	_ =	shalt  }
0x74: {  	_ =	shalt  }
0x75: {  	_ =	shalt  }
0x76: {  	_ =	shalt  }
0x77: {  	_ =	shalt  }
0x78: {  	_ =	shalt  }
0x79: {  	_ =	shalt  }
0x7a: {  	_ =	shalt  }
0x7b: {  	_ =	shalt  }
0x7c: {  	_ =	shalt  }
0x7d: {  	_ =	shalt  }
0x7e: {  	_ =	shalt  }
0x7f: {  	_ =	shalt  }
0x80: {  	_ =	shalt  }
0x81: {  	_ =	shalt  }
0x82: {  	_ =	shalt  }
0x83: {  	_ =	shalt  }
0x84: {  	_ =	shalt  }
0x85: {  	_ =	shalt  }
0x86: {  	_ =	shalt  }
0x87: {  	_ =	shalt  }
.Lfunc_end0:
.L_simem_size_0:
called_computation_lowered:
.L_overlay_start_0:
0x88: {  	s2 =	sld [smem:$0x3FD9]  }
0x89: {  	s3 =	sld [smem:$0x3FFE];
	_ =	sdelay $0x1  }
0x8a: {  	s1 =	srdreg.scid  }
0x8b: {  	s0 =	sand.u32 $0x1, s1  }
0x8c: {  	s28 =	sshll.u32 s0, $0xA;
	s2 =	sadd.s32 s3, s2  }
0x8d: {  	s2 =	sadd.s32 s2, s28  }
0x8e: {  	s4 =	simm.s32 $0x0;
	[smem:$0x3FC6] =	sst s2  }
0x8f: {  	[smem:$0xF] =	sst s4  }
0x90: {  	s2 =	sld [smem:$0x3FC9]  }
0x91: {  	s5 =	sld [smem:$0x3FC8]  }
0x92: {  	s3 =	sld [smem:$0x3FD0];
	(tm) =	ssettm $0x1  }
0x93: {  	s6 =	sld [smem:$0x3FFB];
	_ =	sdelay $0x3  }
0x94: {  	_ =	strace s6  }
0x95: {  	s6 =	sld [smem:$0x3FFC];
	_ =	sdelay $0x3  }
0x96: {  	_ =	strace s6  }
0x97: {  	s6 =	sld [smem:$0x3FFD];
	_ =	sdelay $0x3  }
0x98: {  	_ =	strace s6  }
0x99: {  	s29 =	simm.s32 $0x1B8B;
	_ =	strace $0x8FFFFFFF  }
0x9a: {  	_ =	swait.ge [sflag:s29], $0x1  }
0x9b: {  	[sflag:s29] =	ssyncset.done $0x0  }
0x9c: {  	s30 =	simm.s32 $0x1B8E;
	[sflag:s29] =	ssyncadd.s32 $0xFFFFFFFF  }
0x9d: {  	s31 =	simm.s32 $0xA;
	[smem:$0x3FD2] =	sst s30  }
0x9e: {  	s7 =	simm.s32 $0x10;
	p0 =	seq.s32 s0, $0x1;
	_ =	strace $0x80000046  }
0x9f: {  	[smem:s7], [sflag:s31] =	dma.local [hbm:s5], $0x10  }
.Ltmp0:
0xa0: {  	_ = 	snop;
	(pc) =	sbr.rel @p0 .LBB1_4-.Ltmp0, $3  }
0xa1: {  	_ =	swait.ge [sflag:s31], $0x10  }
0xa2: {  	[sflag:s31] =	ssyncset.done $0x0  }
0xa3: {  	[sflag:s31] =	ssyncadd.s32 $0xFFFFFFF0  }
0xa4: {  	s5 =	sld [smem:$0x10];
	_ =	sdelay $0x3  }
0xa5: {  	s5 =	sshll.u32 s5, $0xE  }
0xa6: {  	s8 =	sand.u32 $0x380, s4;
	s9 =	sand.u32 $0x70, s4;
	s6 =	sadd.s32 $0xFFFFC000, s5  }
0xa7: {  	s30 =	sand.u32 $0x400, s4;
	s11 =	simm.s32 $0x100;
	s7 =	sand.u32 $0xFFFFE000, s6  }
0xa8: {  	s9 =	sadd.s32 s3, s9;
	s5 =	simm.s32 $0x1;
	s7 =	sor.u32 s8, s7  }
0xa9: {  	s6 =	simm.s32 $0x80;
	s8 =	sadd.s32 s30, s9;
	s10 =	sshrl.u32 s7, $0x3  }
0xaa: {  	s9 =	simm.s32 $0x11;
	s7 =	simm.s32 $0x9;
	s31 =	sadd.s32 s2, s10  }
0xab: {  	[hbm:s8@s6], [sflag:s7] =	dma.strided [hbm:s31@s6], $0x40, s5, $0x10   }
0xac: {  	s10 =	simm.s32 $0x80;
	s8 =	simm.s32 $0xFFFFC000;
	s12 =	sld [smem:$0x11]  }
.LBB1_2:
0xad: {  	p0 =	sne.s32 s11, $0x780;
	_ =	sdelay $0x2  }
0xae: {  	s8 =	sadd.s32 $0x400, s8;
	s12 =	sshll.u32 s12, $0xE  }
0xaf: {  	s12 =	sadd.s32 s12, s8  }
0xb0: {  	s13 =	sand.u32 $0x380, s10;
	s4 =	sadd.s32 $0x10, s4;
	s12 =	sand.u32 $0xFFFFE000, s12  }
0xb1: {  	s10 =	sand.u32 $0x400, s10;
	s14 =	sand.u32 $0x70, s4;
	s12 =	sor.u32 s13, s12  }
.Ltmp1:
0xb2: {  	s13 =	sadd.s32 s3, s14;
	s12 =	sshrl.u32 s12, $0x3;
	(pc) =	sbr.rel @p0 .LBB1_2-.Ltmp1, $3  }
0xb3: {  	s9 =	sadd.s32 $0x1, s9;
	s10 =	sadd.s32 s10, s13;
	s12 =	sadd.s32 s2, s12  }
0xb4: {  	[hbm:s10@s6], [sflag:s7] =	dma.strided [hbm:s12@s6], $0x40, s5, $0x10   }
0xb5: {  	s10 =	smov.u32 s11;
	s11 =	sadd.s32 $0x80, s11;
	s12 =	sld [smem:s9+$0x0]  }
0xb6: {  	_ =	sdelay $0x2  }
0xb7: {  	s8 =	sadd.s32 $0x400, s8;
	s9 =	sshll.u32 s12, $0xE  }
0xb8: {  	s30 =	sand.u32 $0x380, s10;
	s8 =	sadd.s32 s9, s8  }
0xb9: {  	s4 =	sadd.s32 $0x10, s4;
	p0 =	seq.s32 s0, $0x0;
	s8 =	sand.u32 $0xFFFFE000, s8  }
.Ltmp2:
0xba: {  	s4 =	sand.u32 $0x70, s4;
	s8 =	sor.u32 s30, s8;
	(pc) =	sbr.rel @p0 .LBB1_7-.Ltmp2, $3  }
0xbb: {  	s31 =	sand.u32 $0x400, s10;
	s4 =	sadd.s32 s3, s4;
	s8 =	sshrl.u32 s8, $0x3  }
0xbc: {  	s4 =	sadd.s32 s31, s4;
	s8 =	sadd.s32 s2, s8  }
0xbd: {  	[hbm:s4@s6], [sflag:s7] =	dma.strided [hbm:s8@s6], $0x40, s5, $0x10   }
.LBB1_4:
0xbe: {  	s4 =	sld [smem:$0x10];
	_ =	sdelay $0x3  }
0xbf: {  	s7 =	simm.s32 $0x0;
	s4 =	sshll.u32 s4, $0xE  }
0xc0: {  	s5 =	sand.u32 $0x380, s7;
	s4 =	ssub.s32 $0x0, s4  }
0xc1: {  	s6 =	sand.u32 $0x400, s7;
	s8 =	sand.u32 $0x70, s7;
	s4 =	sand.u32 $0xFFFFE000, s4  }
0xc2: {  	s10 =	simm.s32 $0x11;
	s6 =	sor.u32 s8, s6;
	s5 =	sor.u32 s5, s4  }
0xc3: {  	s11 =	simm.s32 $0x100;
	s9 =	sadd.s32 s6, s3;
	s31 =	sadd.s32 $0x2001000, s5  }
0xc4: {  	s6 =	simm.s32 $0x9;
	s9 =	sadd.s32 $0x200, s9;
	s8 =	sshrl.u32 s31, $0x3  }
0xc5: {  	s4 =	simm.s32 $0x1;
	s5 =	simm.s32 $0x80;
	s8 =	sadd.s32 s2, s8  }
0xc6: {  	[hbm:s9@s5], [sflag:s6] =	dma.strided [hbm:s8@s5], $0x40, s4, $0x10   }
0xc7: {  	s9 =	simm.s32 $0x80;
	s8 =	simm.s32 $0x0;
	s12 =	sld [smem:$0x11]  }
.LBB1_5:
0xc8: {  	p0 =	sne.s32 s11, $0x780;
	_ =	sdelay $0x2  }
0xc9: {  	s7 =	sadd.s32 $0x400, s7;
	s12 =	sshll.u32 s12, $0xE  }
0xca: {  	s12 =	ssub.s32 s7, s12  }
0xcb: {  	s13 =	sand.u32 $0x380, s9;
	s8 =	sadd.s32 $0x10, s8;
	s12 =	sand.u32 $0xFFFFE000, s12  }
0xcc: {  	s9 =	sand.u32 $0x400, s9;
	s14 =	sand.u32 $0x70, s8;
	s12 =	sor.u32 s13, s12  }
0xcd: {  	s13 =	sor.u32 s14, s9;
	s9 =	smov.u32 s11;
	s12 =	sadd.s32 $0x2001000, s12  }
.Ltmp3:
0xce: {  	s13 =	sadd.s32 s13, s3;
	s12 =	sshrl.u32 s12, $0x3;
	(pc) =	sbr.rel @p0 .LBB1_5-.Ltmp3, $3  }
0xcf: {  	s10 =	sadd.s32 $0x1, s10;
	s13 =	sadd.s32 $0x200, s13;
	s12 =	sadd.s32 s2, s12  }
0xd0: {  	[hbm:s13@s5], [sflag:s6] =	dma.strided [hbm:s12@s5], $0x40, s4, $0x10   }
0xd1: {  	s11 =	sadd.s32 $0x80, s11;
	s12 =	sld [smem:s10+$0x0]  }
0xd2: {  	_ =	sdelay $0x2  }
0xd3: {  	s7 =	sadd.s32 $0x400, s7;
	s10 =	sshll.u32 s12, $0xE  }
0xd4: {  	s7 =	ssub.s32 s7, s10  }
0xd5: {  	s30 =	sand.u32 $0x380, s9;
	s8 =	sadd.s32 $0x10, s8;
	s7 =	sand.u32 $0xFFFFE000, s7  }
0xd6: {  	s31 =	sand.u32 $0x400, s9;
	s8 =	sand.u32 $0x70, s8;
	s7 =	sor.u32 s30, s7  }
0xd7: {  	s8 =	sor.u32 s8, s31;
	s7 =	sadd.s32 $0x2001000, s7  }
0xd8: {  	s3 =	sadd.s32 s8, s3;
	s7 =	sshrl.u32 s7, $0x3  }
0xd9: {  	s3 =	sadd.s32 $0x200, s3;
	s2 =	sadd.s32 s2, s7  }
0xda: {  	[hbm:s3@s5], [sflag:s6] =	dma.strided [hbm:s2@s5], $0x40, s4, $0x10   }
.LBB1_7:
0xdb: {  	_ = 	snop  }
0xdc: {  	s2 =	simm.s32 $0x9  }
0xdd: {  	_ =	swait.ge [sflag:s2], $0x400  }
0xde: {  	[sflag:s2] =	ssyncset.done $0x0  }
0xdf: {  	[sflag:s2] =	ssyncadd.s32 $0xFFFFFC00  }
0xe0: {  	_ =	strace $0x90000046  }
0xe1: {  	_ =	sfence  }
0xe2: {  	s29 =	sld [smem:$0x0];
	_ =	sdelay $0x2  }
0xe3: {  	s3 =	sshll.u32 s1, $0xD;
	s30 =	sshrl.u32 s1, $0x2  }
0xe4: {  	s31 =	sand.u32 $0x4000, s3;
	s1 =	sadd.s32 s30, s29  }
0xe5: {  	s0 =	sor.u32 s31, s0;
	s1 =	sshll.u32 s1, $0x11  }
0xe6: {  	s0 =	sor.u32 s1, s0  }
0xe7: {  	s0 =	sadd.s32 $0x8F2B, s0;
	(pc) =	sbr.abs _section_cstart, $3  }
0xe8: {  	[sflag:s0] =	ssyncadd.remote.s32 $0x1  }
0xe9: {  	_ =	strace $0x9FFFFFFF  }
0xea: {  	(tm) =	ssettm $0x7FFFFFFF  }
0xeb: {  	_ =	shalt  }

</sc_bundles>
